<compile_context>
chip_gen: v7x
topology: tpu7x:2x2x1
jax: 0.10.2.dev20260603
libtpu: 0.0.44.dev20260713+nightly
codegen_flags: <defaults>
</compile_context>

<pallas_src>
import functools

import jax
import jax.numpy as jnp
from jax.experimental import pallas as pl
from jax.experimental.pallas import tpu as pltpu

_R = 48


def _sum_body(x_ref, out_ref):
    si = pl.program_id(1)
    s = jnp.sum(x_ref[0], axis=0, keepdims=True)
    acc = jnp.broadcast_to(s, out_ref.shape[1:])

    @pl.when(si == 0)
    def _init():
        out_ref[0] = acc

    @pl.when(si != 0)
    def _acc():
        out_ref[0] += acc


def _mlp_topk_body(s_ref, w1_ref, b1_ref, w2_ref, b2_ref, p_ref, *, n_spatial):
    b, _, c = s_ref.shape
    r = _R
    y0 = s_ref[:, 0, :] * (1.0 / n_spatial)
    h = jax.lax.dot_general(y0, w1_ref[...], (((1,), (1,)), ((), ())),
                            preferred_element_type=jnp.float32) + b1_ref[...]
    h = jnp.where(h >= 0, h, 0.01 * h)
    z = jax.lax.dot_general(h, w2_ref[...], (((1,), (1,)), ((), ())),
                            preferred_element_type=jnp.float32) + b2_ref[...]
    s = jax.nn.sigmoid(z)
    si = s[:, :, None]
    sj = s[:, None, :]
    ii = jax.lax.broadcasted_iota(jnp.int32, (b, c, c), 1)
    jj = jax.lax.broadcasted_iota(jnp.int32, (b, c, c), 2)
    beats = (sj > si) | ((sj == si) & (jj < ii))
    rank = jnp.sum(beats.astype(jnp.int32), axis=2)
    pp = jax.lax.broadcasted_iota(jnp.int32, (b, c, r), 2)
    im = jax.lax.broadcasted_iota(jnp.int32, (b, c, r), 1)
    onehot = (rank[:, :, None] == pp).astype(jnp.int32)
    p_ref[...] = jnp.sum(onehot * im, axis=1)[:, None, :]


def _gather_mm_body(x_ref, p_ref, o_ref):
    a = x_ref[0]
    idx = jnp.broadcast_to(p_ref[0], (a.shape[0], _R))
    o_ref[0] = jnp.take_along_axis(a, idx, axis=1)


def kernel(x, w1, b1, w2, b2):
    b, c, d, h, w = x.shape
    n = d * h * w
    xm = jnp.transpose(x, (0, 2, 3, 4, 1)).reshape(b, n, c)

    idx3 = jnp.broadcast_to(jnp.arange(_R, dtype=jnp.int32)[None, None], (b, 1, _R))
    m_blk2 = 8192
    out_t = pl.pallas_call(
        _gather_mm_body,
        grid=(b, n // m_blk2),
        in_specs=[
            pl.BlockSpec((1, m_blk2, c), lambda bi, si: (bi, si, 0)),
            pl.BlockSpec((1, 1, _R), lambda bi, si: (bi, 0, 0)),
        ],
        out_specs=pl.BlockSpec((1, m_blk2, _R), lambda bi, si: (bi, si, 0)),
        out_shape=jax.ShapeDtypeStruct((b, n, _R), jnp.float32),
    )(xm, idx3)
    return jnp.transpose(out_t.reshape(b, d, h, w, _R), (0, 4, 1, 2, 3))


def _unused_kernel(x, w1, b1, w2, b2):
    b, c, d, h, w = x.shape
    n = d * h * w
    xm = jnp.transpose(x, (0, 2, 3, 4, 1)).reshape(b, n, c)
    m_blk1 = 16384
    sums = pl.pallas_call(
        _sum_body,
        grid=(b, n // m_blk1),
        in_specs=[pl.BlockSpec((1, m_blk1, c), lambda bi, si: (bi, si, 0))],
        out_specs=pl.BlockSpec((1, 8, c), lambda bi, si: (bi, 0, 0)),
        out_shape=jax.ShapeDtypeStruct((b, 8, c), jnp.float32),
    )(xm)

    idx3 = pl.pallas_call(
        functools.partial(_mlp_topk_body, n_spatial=n),
        out_shape=jax.ShapeDtypeStruct((b, 1, _R), jnp.int32),
    )(sums, w1, b1.reshape(1, c), w2, b2.reshape(1, c))

    m_blk2 = 8192
    out_t = pl.pallas_call(
        _gather_mm_body,
        grid=(b, n // m_blk2),
        in_specs=[
            pl.BlockSpec((1, m_blk2, c), lambda bi, si: (bi, si, 0)),
            pl.BlockSpec((1, 1, _R), lambda bi, si: (bi, 0, 0)),
        ],
        out_specs=pl.BlockSpec((1, m_blk2, _R), lambda bi, si: (bi, si, 0)),
        out_shape=jax.ShapeDtypeStruct((b, n, _R), jnp.float32),
    )(xm, idx3)

    return jnp.transpose(out_t.reshape(b, d, h, w, _R), (0, 4, 1, 2, 3))

# --- scband reference (transcript-rebuilt; emitter-appended) ---
"""Pipeline reference for scband-channel-selayer-36876589204141 (READ-ONLY COPY).

The authoritative reference and input builder live on the scoring server;
editing this copy changes nothing except your own understanding.
"""

import jax, jax.numpy as jnp
import numpy as np


def setup_inputs(seed: int = 0) -> dict:
    key = jax.random.key(seed)
    ks = jax.random.split(key, 5)
    b, c, d, h, w = 2, 96, 32, 64, 64
    x = jax.random.normal(ks[0], (b, c, d, h, w), dtype=jnp.float32)
    w1 = jax.random.normal(ks[1], (c, c), dtype=jnp.float32) * (1.0 / np.sqrt(c))
    b1 = jnp.zeros((c,), dtype=jnp.float32)
    w2 = jax.random.normal(ks[2], (c, c), dtype=jnp.float32) * (1.0 / np.sqrt(c))
    b2 = jnp.zeros((c,), dtype=jnp.float32)
    return {"x": x, "w1": w1, "b1": b1, "w2": w2, "b2": b2}


def reference(x, w1, b1, w2, b2):
    r = 48
    b, c = x.shape[:2]
    # adaptive avg pool to 1x1x1 == mean over spatial dims
    y = jnp.mean(x, axis=(2, 3, 4))  # [b, c]
    # fc: Linear -> LeakyReLU -> Linear -> Sigmoid (torch Linear: y @ W.T + b)
    y = jax.nn.leaky_relu(y @ w1.T + b1, negative_slope=0.01)
    y = jax.nn.sigmoid(y @ w2.T + b2)
    # top-k channel indices per batch element
    _, idx = jax.lax.top_k(y, r)  # [b, r]
    # gather the selected channels for each batch element
    sliced = jnp.take_along_axis(x, idx[:, :, None, None, None], axis=1)  # [b, r, D, H, W]
    return sliced

if __name__ == "__main__":
    import jax
    _d = setup_inputs()
    print(jax.jit(kernel)(*tuple(_d.values())))

</pallas_src>

<mosaic_0001>
module attributes {stable_mosaic.version = 14 : i64} {
  func.func @_gather_mm_body(%arg0: i32, %arg1: i32, %arg2: memref<1x8192x96xf32, #tpu.memory_space<vmem>>, %arg3: memref<1x1x48xi32, #tpu.memory_space<vmem>>, %arg4: memref<1x8192x48xf32, #tpu.memory_space<vmem>>) attributes {dimension_semantics = [#tpu.dimension_semantics<arbitrary>, #tpu.dimension_semantics<arbitrary>], iteration_bounds = array<i64: 2, 16>, scalar_prefetch = 0 : i64, scratch_operands = 0 : i64, tpu.core_type = #tpu.core_type<tc>, window_params = [{transform_indices = @transform_0, window_bounds = array<i64: 1, 8192, 96>}, {transform_indices = @transform_1, window_bounds = array<i64: 1, 1, 48>}, {transform_indices = @transform_2, window_bounds = array<i64: 1, 8192, 48>}]} {
    %get3A = arith.constant 0 : index
    %get3A_0 = arith.constant 0 : index
    %get3A_1 = arith.constant 0 : index
    %get3A_2 = vector.load %arg2[%get3A, %get3A_0, %get3A_1] : memref<1x8192x96xf32, #tpu.memory_space<vmem>>, vector<1x8192x96xf32>
    %get3A_3 = vector.shape_cast %get3A_2 : vector<1x8192x96xf32> to vector<8192x96xf32>
    %get3A_4 = arith.constant 0 : index
    %get3A_5 = arith.constant 0 : index
    %get3A_6 = arith.constant 0 : index
    %get3A_7 = vector.load %arg3[%get3A_4, %get3A_5, %get3A_6] : memref<1x1x48xi32, #tpu.memory_space<vmem>>, vector<1x1x48xi32>
    %get3A_8 = vector.shape_cast %get3A_7 : vector<1x1x48xi32> to vector<1x48xi32>
    %broadcast_in_dim3A = vector.shape_cast %get3A_8 : vector<1x48xi32> to vector<1x48xi32>
    %broadcast_in_dim3A_9 = vector.broadcast %broadcast_in_dim3A : vector<1x48xi32> to vector<8192x48xi32>
    %lt3A = arith.constant 0 : i32
    %lt3A_10 = vector.broadcast %lt3A : i32 to vector<8192x48xi32>
    %lt3A_11 = arith.cmpi slt, %broadcast_in_dim3A_9, %lt3A_10 : vector<8192x48xi32>
    %add3A = arith.constant 96 : i32
    %add3A_12 = vector.broadcast %add3A : i32 to vector<8192x48xi32>
    %add3A_13 = arith.addi %broadcast_in_dim3A_9, %add3A_12 : vector<8192x48xi32>
    %select_n3A = arith.select %lt3A_11, %add3A_13, %broadcast_in_dim3A_9 : vector<8192x48xi1>, vector<8192x48xi32>
    %reshape3A = vector.shape_cast %select_n3A : vector<8192x48xi32> to vector<8192x48x1xi32>
    %gather3A = vector.shape_cast %reshape3A : vector<8192x48x1xi32> to vector<8192x48xi32>
    %gather3A_14 = tpu.dynamic_gather %get3A_3[%gather3A] in [1] : vector<8192x96xf32>, vector<8192x48xi32> -> vector<8192x48xf32>
    %swap3A = arith.constant 0 : index
    %swap3A_15 = arith.constant 0 : index
    %swap3A_16 = arith.constant 0 : index
    %swap3A_17 = vector.load %arg4[%swap3A, %swap3A_15, %swap3A_16] : memref<1x8192x48xf32, #tpu.memory_space<vmem>>, vector<1x8192x48xf32>
    %swap3A_18 = vector.shape_cast %swap3A_17 : vector<1x8192x48xf32> to vector<8192x48xf32>
    %swap3A_19 = vector.shape_cast %gather3A_14 : vector<8192x48xf32> to vector<1x8192x48xf32>
    tpu.vector_store %arg4[%swap3A, %swap3A_15, %swap3A_16], %swap3A_19 {strides = array<i32>} : memref<1x8192x48xf32, #tpu.memory_space<vmem>>, vector<1x8192x48xf32>,
    return
  }
  func.func @transform_0(%arg0: i32, %arg1: i32) -> (i32, i32, i32) {
    %c0_i32 = arith.constant 0 : i32
    %c0_i32_0 = arith.constant 0 : i32
    return %arg0, %arg1, %c0_i32 : i32, i32, i32
  }
  func.func @transform_1(%arg0: i32, %arg1: i32) -> (i32, i32, i32) {
    %c0_i32 = arith.constant 0 : i32
    %c0_i32_0 = arith.constant 0 : i32
    %c0_i32_1 = arith.constant 0 : i32
    return %arg0, %c0_i32, %c0_i32_0 : i32, i32, i32
  }
  func.func @transform_2(%arg0: i32, %arg1: i32) -> (i32, i32, i32) {
    %c0_i32 = arith.constant 0 : i32
    %c0_i32_0 = arith.constant 0 : i32
    return %arg0, %arg1, %c0_i32 : i32, i32, i32
  }
}

</mosaic_0001>

<sc_bundles>
// kernel: sparse-core-data-format-call.cloned.1.call-start
scs
called_computation_lowered:
.L_overlay_start_0:
0x0: {  	s2 =	sld [smem:$0x3FD9]  }
0x1: {  	s3 =	sld [smem:$0x3FFE];
	_ =	sdelay $0x1  }
0x2: {  	s1 =	srdreg.scid  }
0x3: {  	s0 =	sand.u32 $0x1, s1  }
0x4: {  	s18 =	sshll.u32 s0, $0xA;
	s2 =	sadd.s32 s3, s2  }
0x5: {  	s2 =	sadd.s32 s2, s18  }
0x6: {  	[smem:$0x3FC7] =	sst s2  }
0x7: {  	_ = 	snop  }
0x8: {  	s2 =	sld [smem:$0x3FD0];
	(tm) =	ssettm $0x1  }
0x9: {  	s19 =	sld [smem:$0x3FFB];
	_ =	sdelay $0x3  }
0xa: {  	_ =	strace s19  }
0xb: {  	s3 =	sld [smem:$0x3FFC];
	_ =	sdelay $0x3  }
0xc: {  	_ =	strace s3  }
0xd: {  	s3 =	sld [smem:$0x3FFD];
	_ =	sdelay $0x3  }
0xe: {  	_ =	strace s3  }
0xf: {  	_ =	strace $0x8FFFFFFF  }
0x10: {  	s20 =	sld [smem:$0x3FDB];
	_ =	sdelay $0x1  }
0x11: {  	s4 =	simm.s32 $_scs_section_size  }
0x12: {  	s5 =	simm.s32 $_size__tile_overlayer_lowered;
	s6 =	simm.s32 $_tile_overlayer_lowered  }
0x13: {  	s23 =	simm.s32 $0x1BFF;
	s22 =	sshll.u32 s6, $0x1;
	s3 =	sadd.s32 s4, s20  }
0x14: {  	s7 =	simm.s32 $0x0;
	s21 =	sshll.u32 s5, $0x1;
	s5 =	sadd.s32 s22, s3  }
0x15: {  	[timem:s7], [sflag:s23] =	dma.local [hbm:s5], s21  }
0x16: {  	_ =	swait.ge [sflag:s23], s21  }
0x17: {  	s4 =	ssub.s32 $0x0, s21;
	[sflag:s23] =	ssyncset.done $0x0  }
0x18: {  	[sflag:s23] =	ssyncadd.s32 s4;
	_ =	sdelay $0x1  }
0x19: {  	s24 =	simm.s32 $0x1B8B  }
0x1a: {  	_ =	swait.ge [sflag:s24], $0x1  }
0x1b: {  	[sflag:s24] =	ssyncset.done $0x0  }
0x1c: {  	s26 =	simm.s32 $0x1B8E;
	s25 =	sld [smem:$0x3FFE];
	[sflag:s24] =	ssyncadd.s32 $0xFFFFFFFF  }
0x1d: {  	s27 =	simm.s32 $execute0_lowered;
	[smem:$0x3FD2] =	sst s26  }
0x1e: {  	s5 =	sshll.u32 s27, $0x1;
	_ =	strace $0x80000046;
	[dreg:$0x1] =	wrdreg $0xFFFFFFFF  }
0x1f: {  	s28 =	simm.s32 $_size_execute0_lowered;
	s3 =	sadd.s32 s3, s5;
	[dreg:$0x0] =	wrdreg $0x0  }
0x20: {  	s5 =	sshll.u32 s28, $0x1;
	[dreg:$0x2] =	wrdreg s3  }
0x21: {  	[dreg:$0x3] =	wrdreg s5  }
0x22: {  	[dreg:$0x4] =	wrdreg $0xC0  }
0x23: {  	_ =	task [dreg:s7], $0x5FFFF  }
0x24: {  	[dreg:$0x1] =	wrdreg $0xFFFFFFFF  }
0x25: {  	[dreg:$0x0] =	wrdreg $0x60  }
0x26: {  	[dreg:$0x2] =	wrdreg s25  }
0x27: {  	[dreg:$0x3] =	wrdreg s2  }
0x28: {  	[dreg:$0x4] =	wrdreg $0x9  }
0x29: {  	_ =	task.clear_ibuf [dreg:s7], $0x5FFFF;
	_ =	strace $0x90000046  }
0x2a: {  	s29 =	simm.s32 $0x9;
	_ =	strace $0x80000048  }
0x2b: {  	_ =	swait.ge [sflag:s29], $0x1  }
0x2c: {  	[sflag:s29] =	ssyncadd.s32 $0xFFFFFFFF  }
0x2d: {  	_ =	strace $0x90000048  }
0x2e: {  	_ =	sfence  }
0x2f: {  	s30 =	sld [smem:$0x0];
	_ =	sdelay $0x2  }
0x30: {  	s31 =	sshll.u32 s1, $0xD;
	s1 =	sshrl.u32 s1, $0x2  }
0x31: {  	s3 =	sand.u32 $0x4000, s31;
	s1 =	sadd.s32 s1, s30  }
0x32: {  	s0 =	sor.u32 s3, s0;
	s1 =	sshll.u32 s1, $0x11  }
0x33: {  	s0 =	sor.u32 s1, s0  }
0x34: {  	s0 =	sadd.s32 $0x8F2B, s0  }
0x35: {  	[sflag:s0] =	ssyncadd.remote.s32 $0x1  }
0x36: {  	_ =	sfence.sel $0xFFFF  }
0x37: {  	[dreg:$0x0] =	wrdreg $0xFFFFFFFF;
	(pc) =	sbr.abs _section_cstart, $3  }
0x38: {  	[dreg:$0x1] =	wrdreg $0xFFFFFFFF  }
0x39: {  	_ =	task.clear_ibuf [dreg:s7], $0x2FFFF;
	_ =	strace $0x9FFFFFFF  }
0x3a: {  	(tm) =	ssettm $0x7FFFFFFF  }
0x3b: {  	_ =	shalt  }
tec
execute0_lowered:
.L_overlay_start_1:
0x0: {  	(tag) =	ssettag $0x1  }
0x1: {  	s0 =	rddreg [dreg:$0x0]  }
0x2: {  	s6 =	stileid.u32;
	s8 =	rddreg [dreg:$0x1]  }
0x3: {  	s1 =	srdreg.scid;
	_ =	strace $0x80000047;
	s19 =	sadd.s32 $0x8000, s8  }
0x4: {  	s18 =	simm.s32 $0x2;
	s20 =	sadd.s32 $0x10000, s8;
	[dreg:$0x3] =	wrdreg s19  }
0x5: {  	p0 =	por $0x0, $0x0;
	s21 =	sadd.s32 $0x18000, s8;
	[dreg:$0x4] =	wrdreg s20  }
0x6: {  	s9 =	simm.s32 $0x0;
	s22 =	sadd.s32 $0x20000, s8;
	[dreg:$0x5] =	wrdreg s21  }
0x7: {  	s27 =	simm.s32 $0x0;
	s23 =	sadd.s32 $0x28000, s8;
	[dreg:$0x6] =	wrdreg s22  }
0x8: {  	s30 =	simm.s32 $0x0;
	s24 =	sadd.s32 $0x30000, s8;
	[dreg:$0x7] =	wrdreg s23  }
0x9: {  	s3 =	sand.u32 $0x1, s6;
	s25 =	sadd.s32 $0x38000, s8;
	[dreg:$0x8] =	wrdreg s24  }
0xa: {  	s1 =	sshll.u32 s1, $0x4;
	s26 =	sadd.s32 $0x40000, s8;
	[dreg:$0x9] =	wrdreg s25  }
0xb: {  	s4 =	sadd.s32 $0x400, s0;
	s31 =	sadd.s32 $0x48000, s8;
	[dreg:$0xa] =	wrdreg s26  }
0xc: {  	s2 =	ssub.s32 $0x2, s3;
	s16 =	sand.u32 $0x10, s1;
	[dreg:$0xb] =	wrdreg s31  }
0xd: {  	s19 =	sadd.s32 $0x60000, s8;
	s20 =	sadd.s32 $0x68000, s8;
	s21 =	sadd.s32 $0x70000, s8  }
0xe: {  	s22 =	sadd.s32 $0x78000, s8;
	s24 =	simm.s32 $0x80;
	s26 =	simm.s32 $0x0  }
0xf: {  	s25 =	simm.s32 $0x0;
	s29 =	smov.u32 s3;
	s5 =	sshll.u32 s2, $0x1  }
0x10: {  	s0 =	sor.u32 s6, s16;
	s17 =	sand.u32 $0x2, s5;
	s5 =	simm.s32 $0x1  }
.Ltmp0:
0x11: {  	s6 =	sshrl.u32 s0, $0x1;
	s1 =	sadd.s32 s2, s17;
	(pc) =	sbr.rel .LBB1_1-.Ltmp0, $4  }
0x12: {  	s0 =	simm.s32 $0x0;
	[sflag:s5] =	ssyncpa.u1 $0x0;
	s1 =	sand.u32 $0x6, s1  }
0x13: {  	s17 =	sadd.s32 $0x50000, s8;
	s2 =	simm.s32 $0x0;
	s7 =	smul.u32 $0xC, s1  }
0x14: {  	s28 =	smov.u32 s6;
	[sflag:s18] =	ssyncpa.u1 $0x0;
	s18 =	sadd.s32 $0x58000, s8  }
0x15: {  	s8 =	simm.s32 $0x0;
	s1 =	simm.s32 $0x0;
	s23 =	sor.u32 $0x1, s7  }
.LBB1_7:
0x16: {  	s10 =	sadd.s32 $0x10, s25  }
0x17: {  	s0 =	sadd.s32 $0x40, s1;
	s11 =	smov.u32 s1;
	p2 =	sgt.s32 s10, $0x2F  }
0x18: {  	s11 =	smov.u32 @p2 s0  }
0x19: {  	s12 =	smov.u32 s27;
	s0 =	sadd.s32 $0x10, s27;
	p3 =	sgt.s32 s11, $0x3F  }
0x1a: {  	s12 =	smov.u32 @p3 s0  }
0x1b: {  	s13 =	smov.u32 s28;
	s0 =	sadd.s32 $0x10, s28;
	p4 =	sgt.s32 s12, $0x3F  }
0x1c: {  	p1 =	slt.u32 s30, $0x2;
	s14 =	smov.u32 s29;
	s13 =	smov.u32 @p4 s0  }
0x1d: {  	s26 =	smov.u32 s1;
	s0 =	sadd.s32 $0x2, s29;
	p5 =	sgt.s32 s13, $0x1F  }
0x1e: {  	s9 =	smov.u32 s27;
	s2 =	smov.u32 s28;
	s14 =	smov.u32 @p5 s0  }
0x1f: {  	s8 =	smov.u32 s29;
	s10 =	simm.s32 @p2 $0x0;
	p2 =	sgt.s32 s14, $0x1  }
0x20: {  	s15 =	simm.s32 @!p1 $0x2;
	s14 =	smov.u32 @p2 s3;
	p2 =	sne.s32 s30, s23  }
.Ltmp1:
0x21: {  	p0 =	por !p0, !p0;
	_ =	swait.ge @!p1 [sflag:s15], $0x4000;
	(pc) =	sbr.rel @!p2 .LBB1_8-.Ltmp1, $4  }
0x22: {  	[sflag:s15] =	ssyncset.done @!p1 $0x0;
	s11 =	simm.s32 @p3 $0x0;
	s12 =	simm.s32 @p4 $0x0  }
0x23: {  	[sflag:s15] =	ssyncadd.s32 @!p1 $0xFFFFC000;
	s1 =	smov.u32 s11;
	s27 =	smov.u32 s12  }
0x24: {  	s13 =	smov.u32 @p5 s6;
	s0 =	smov.u32 s25;
	s25 =	smov.u32 s10  }
0x25: {  	s28 =	smov.u32 s13;
	s30 =	sadd.s32 $0x1, s30;
	s29 =	smov.u32 s14  }
.LBB1_1:
0x26: {  	p1 =	sge.u32 s30, s7  }
0x27: {  	s31 =	sadd.s32 $0xFFFFFFFF, s30;
	s10 =	sshll.u32 @!p1 s1, $0x7;
	s11 =	sshll.u32 @!p1 s25, $0x3  }
0x28: {  	s12 =	sxor.u32 @!p1 $0xFFFFFFFF, s30;
	s13 =	sand.u32 @!p1 $0x1C00, s10;
	s11 =	sand.u32 @!p1 $0x1C00, s11  }
0x29: {  	s14 =	sshll.u32 @!p1 s27, $0xA;
	s10 =	sand.u32 @!p1 $0x380, s10;
	s11 =	sadd.s32 @!p1 s13, s11  }
0x2a: {  	s15 =	sshrl.u32 @!p1 s25, $0x3;
	s10 =	sor.u32 @!p1 s10, s11;
	s11 =	sshll.u32 @!p1 s29, $0x15  }
0x2b: {  	s12 =	sshll.u32 @!p1 s12, $0xE;
	s13 =	sshll.u32 @!p1 s28, $0x10;
	s11 =	sadd.s32 @!p1 s4, s11  }
0x2c: {  	s12 =	sand.u32 @!p1 $0x4000, s12;
	s10 =	sshrl.u32 @!p1 s10, $0x3;
	s11 =	sadd.s32 @!p1 s13, s11  }
0x2d: {  	s13 =	sand.u32 @!p1 $0xF, s15;
	s11 =	sadd.s32 @!p1 s14, s11;
	s14 =	sand.u32 @!p1 $0x7, s25  }
0x2e: {  	s10 =	sand.u32 @!p1 $0x3F0, s10;
	s11 =	sadd.s32 @!p1 s13, s11;
	s13 =	sshll.u32 @!p1 s14, $0x12  }
0x2f: {  	s10 =	sadd.s32 @!p1 s10, s11;
	s11 =	sor.u32 @!p1 $0x10, s13;
	s13 =	simm.s32 @!p1 $0x80  }
0x30: {  	[tilespmem:s12], [sflag:$0x1] =	stream.strided.gather @!p1 [hbm4b:s10+s11], $0x4000, s13, s11, $0x38;
	[tilespmem:$0x10200] =	vst v63  }
0x31: {  	p1 =	sge.u32 s31, s7  }
.Ltmp2:
0x32: {  	_ = 	snop;
	(pc) =	sbr.rel @p1 .LBB1_7-.Ltmp2, $1  }
0x33: {  	_ =	sdelay $0x3  }
0x34: {  	s10 =	simm.s32 $0x1;
	s12 =	sand.u32 $0x1, s30  }
0x35: {  	_ =	swait.ge [sflag:s5], $0x4000;
	s10 =	simm.s32 @!p0 $0x0;
	s13 =	smul.u32 $0x10400, s12  }
0x36: {  	[sflag:s5] =	ssyncset.done $0x0;
	s11 =	smul.u32 $0x10400, s10  }
0x37: {  	s10 =	sshll.u32 s10, $0xE;
	[sflag:s5] =	ssyncadd.s32 $0xFFFFC000  }
0x38: {  	s12 =	sor.u32 $0x40, s10;
	s31 =	sshrl.u32 s13, $0x2;
	s11 =	sshrl.u32 s11, $0x2  }
0x39: {  	s13 =	simm.s32 $0x0;
	s14 =	sor.u32 $0x8007, s11;
	s11 =	sor.u32 $0x8000, s31  }
.LBB1_3:
0x3a: {  	v3 =	vld [tilespmem:s12+$0x30]  }
0x3b: {  	v4 =	vld [tilespmem:s12+$0xFFFFFFD0]  }
0x3c: {  	v5 =	vld [tilespmem:s12+$0xFFFFFFE0]  }
0x3d: {  	v1 =	vld [tilespmem:s12+$0xFFFFFFF0]  }
0x3e: {  	v0 =	vld [tilespmem:s12+$0x0]  }
0x3f: {  	v2 =	vld [tilespmem:s12+$0x10];
	[tilespmem:s14+$0x0 ss:$0x410] =	vst.msk $0xffff, v3  }
0x40: {  	[tilespmem:s14+$0xFFFFFFFA ss:$0x410] =	vst.msk $0xffff, v4;
	v4 =	vld [tilespmem:s12+$0x20]  }
0x41: {  	s15 =	simm.s32 $0x0;
	s16 =	sadd.s32 $0x80, s12;
	s10 =	smov.u32 s14;
	v3 =	vld [tilespmem:s12+$0xFFFFFFC0];
	[tilespmem:s14+$0xFFFFFFFB ss:$0x410] =	vst.msk $0xffff, v5  }
.LBB1_4:
0x42: {  	v5 =	vld [tilespmem:s16+$0x30];
	s15 =	sadd.s32 $0x8, s15;
	[tilespmem:s10+$0xFFFFFFFC ss:$0x410] =	vst.msk $0xffff, v1  }
0x43: {  	v6 =	vld [tilespmem:s16+$0xFFFFFFD0];
	p1 =	slt.u32 s15, $0x38;
	[tilespmem:s10+$0xFFFFFFFD ss:$0x410] =	vst.msk $0xffff, v0  }
0x44: {  	v7 =	vld [tilespmem:s16+$0xFFFFFFE0];
	[tilespmem:s10+$0xFFFFFFFE ss:$0x410] =	vst.msk $0xffff, v2  }
.Ltmp3:
0x45: {  	v1 =	vld [tilespmem:s16+$0xFFFFFFF0];
	[tilespmem:s10+$0xFFFFFFFF ss:$0x410] =	vst.msk $0xffff, v4;
	(pc) =	sbr.rel @p1 .LBB1_4-.Ltmp3, $4  }
0x46: {  	v0 =	vld [tilespmem:s16+$0x0];
	[tilespmem:s10+$0xFFFFFFF9 ss:$0x410] =	vst.msk $0xffff, v3;
	s10 =	sadd.s32 $0x8, s10  }
0x47: {  	v2 =	vld [tilespmem:s16+$0x10];
	[tilespmem:s10+$0x0 ss:$0x410] =	vst.msk $0xffff, v5  }
0x48: {  	[tilespmem:s10+$0xFFFFFFFA ss:$0x410] =	vst.msk $0xffff, v6;
	v4 =	vld [tilespmem:s16+$0x20]  }
0x49: {  	v3 =	vld [tilespmem:s16+$0xFFFFFFC0];
	[tilespmem:s10+$0xFFFFFFFB ss:$0x410] =	vst.msk $0xffff, v7;
	s16 =	sadd.s32 $0x80, s16  }
0x4a: {  	s13 =	sadd.s32 $0x1, s13  }
0x4b: {  	p1 =	sne.s32 s13, $0x10  }
.Ltmp4:
0x4c: {  	[tilespmem:s10+$0xFFFFFFFC ss:$0x410] =	vst.msk $0xffff, v1;
	(pc) =	sbr.rel @p1 .LBB1_3-.Ltmp4, $4  }
0x4d: {  	[tilespmem:s10+$0xFFFFFFFD ss:$0x410] =	vst.msk $0xffff, v0  }
0x4e: {  	[tilespmem:s10+$0xFFFFFFFE ss:$0x410] =	vst.msk $0xffff, v2  }
0x4f: {  	[tilespmem:s10+$0xFFFFFFFF ss:$0x410] =	vst.msk $0xffff, v4  }
0x50: {  	s14 =	sadd.s32 $0x41, s14;
	s12 =	sadd.s32 $0x400, s12;
	[tilespmem:s10+$0xFFFFFFF9 ss:$0x410] =	vst.msk $0xffff, v3  }
0x51: {  	s9 =	sshll.u32 s9, $0x7;
	s10 =	sshll.u32 s26, $0x3;
	s8 =	smul.u32 $0x180000, s8  }
0x52: {  	s2 =	sshll.u32 s2, $0xA;
	s0 =	sshll.u32 s0, $0xF;
	s14 =	sshrl.u32 s26, $0x3  }
0x53: {  	s13 =	rddreg [dreg:$0x1];
	s12 =	sand.u32 $0x1C00, s9;
	s10 =	sand.u32 $0x1C00, s10  }
0x54: {  	s9 =	sand.u32 $0x380, s9;
	s10 =	sadd.s32 s12, s10;
	s12 =	sadd.s32 s8, s2  }
0x55: {  	s16 =	sand.u32 $0x7, s26;
	s9 =	sor.u32 s9, s10;
	s13 =	sadd.s32 s13, s12  }
0x56: {  	s10 =	sshrl.u32 s9, $0x3;
	s9 =	sand.u32 $0xF, s14;
	s15 =	sadd.s32 s0, s13  }
0x57: {  	s26 =	sand.u32 $0x3F0, s10;
	s14 =	sadd.s32 s9, s15;
	s15 =	sshll.u32 s16, $0x12  }
0x58: {  	s13 =	rddreg [dreg:$0x3];
	s16 =	sadd.s32 s26, s14;
	s10 =	sor.u32 $0x40, s15  }
0x59: {  	[hbm4b:s16+s10] =	stream.strided.scatter [tilespmem:s11], [sflag:$0x2], $0x400, s24, s10, $0x18;
	[tilespmem:$0x10200] =	vst v63  }
0x5a: {  	s11 =	sadd.s32 s8, s13  }
0x5b: {  	s11 =	sadd.s32 s2, s11  }
0x5c: {  	s11 =	sadd.s32 s0, s11  }
0x5d: {  	s11 =	sadd.s32 s9, s11  }
0x5e: {  	s14 =	sadd.s32 $0x8410, s31;
	s15 =	rddreg [dreg:$0x4];
	s11 =	sadd.s32 s26, s11  }
0x5f: {  	[hbm4b:s11+s10] =	stream.strided.scatter [tilespmem:s14], [sflag:$0x2], $0x400, s24, s10, $0x18;
	[tilespmem:$0x10200] =	vst v63  }
0x60: {  	s11 =	sadd.s32 s8, s15  }
0x61: {  	s11 =	sadd.s32 s2, s11  }
0x62: {  	s11 =	sadd.s32 s0, s11  }
0x63: {  	s11 =	sadd.s32 s9, s11  }
0x64: {  	s16 =	sadd.s32 $0x8820, s31;
	s13 =	rddreg [dreg:$0x5];
	s11 =	sadd.s32 s26, s11  }
0x65: {  	[hbm4b:s11+s10] =	stream.strided.scatter [tilespmem:s16], [sflag:$0x2], $0x400, s24, s10, $0x18;
	[tilespmem:$0x10200] =	vst v63  }
0x66: {  	s11 =	sadd.s32 s8, s13  }
0x67: {  	s11 =	sadd.s32 s2, s11  }
0x68: {  	s11 =	sadd.s32 s0, s11  }
0x69: {  	s11 =	sadd.s32 s9, s11  }
0x6a: {  	s14 =	sadd.s32 $0x8C30, s31;
	s15 =	rddreg [dreg:$0x6];
	s11 =	sadd.s32 s26, s11  }
0x6b: {  	[hbm4b:s11+s10] =	stream.strided.scatter [tilespmem:s14], [sflag:$0x2], $0x400, s24, s10, $0x18;
	[tilespmem:$0x10200] =	vst v63  }
0x6c: {  	s11 =	sadd.s32 s8, s15  }
0x6d: {  	s11 =	sadd.s32 s2, s11  }
0x6e: {  	s11 =	sadd.s32 s0, s11  }
0x6f: {  	s11 =	sadd.s32 s9, s11  }
0x70: {  	s16 =	sadd.s32 $0x9040, s31;
	s13 =	rddreg [dreg:$0x7];
	s11 =	sadd.s32 s26, s11  }
0x71: {  	[hbm4b:s11+s10] =	stream.strided.scatter [tilespmem:s16], [sflag:$0x2], $0x400, s24, s10, $0x18;
	[tilespmem:$0x10200] =	vst v63  }
0x72: {  	s11 =	sadd.s32 s8, s13  }
0x73: {  	s11 =	sadd.s32 s2, s11  }
0x74: {  	s11 =	sadd.s32 s0, s11  }
0x75: {  	s11 =	sadd.s32 s9, s11  }
0x76: {  	s14 =	sadd.s32 $0x9450, s31;
	s15 =	rddreg [dreg:$0x8];
	s11 =	sadd.s32 s26, s11  }
0x77: {  	[hbm4b:s11+s10] =	stream.strided.scatter [tilespmem:s14], [sflag:$0x2], $0x400, s24, s10, $0x18;
	[tilespmem:$0x10200] =	vst v63  }
0x78: {  	s11 =	sadd.s32 s8, s15  }
0x79: {  	s11 =	sadd.s32 s2, s11  }
0x7a: {  	s11 =	sadd.s32 s0, s11  }
0x7b: {  	s11 =	sadd.s32 s9, s11  }
0x7c: {  	s16 =	sadd.s32 $0x9860, s31;
	s13 =	rddreg [dreg:$0x9];
	s11 =	sadd.s32 s26, s11  }
0x7d: {  	[hbm4b:s11+s10] =	stream.strided.scatter [tilespmem:s16], [sflag:$0x2], $0x400, s24, s10, $0x18;
	[tilespmem:$0x10200] =	vst v63  }
0x7e: {  	s11 =	sadd.s32 s8, s13  }
0x7f: {  	s11 =	sadd.s32 s2, s11  }
0x80: {  	s11 =	sadd.s32 s0, s11  }
0x81: {  	s11 =	sadd.s32 s9, s11  }
0x82: {  	s14 =	sadd.s32 $0x9C70, s31;
	s15 =	rddreg [dreg:$0xa];
	s11 =	sadd.s32 s26, s11  }
0x83: {  	[hbm4b:s11+s10] =	stream.strided.scatter [tilespmem:s14], [sflag:$0x2], $0x400, s24, s10, $0x18;
	[tilespmem:$0x10200] =	vst v63  }
0x84: {  	s11 =	sadd.s32 s8, s15  }
0x85: {  	s11 =	sadd.s32 s2, s11  }
0x86: {  	s11 =	sadd.s32 s0, s11  }
0x87: {  	s11 =	sadd.s32 s9, s11  }
0x88: {  	s16 =	sadd.s32 $0xA080, s31;
	s13 =	rddreg [dreg:$0xb];
	s11 =	sadd.s32 s26, s11  }
0x89: {  	[hbm4b:s11+s10] =	stream.strided.scatter [tilespmem:s16], [sflag:$0x2], $0x400, s24, s10, $0x18;
	[tilespmem:$0x10200] =	vst v63  }
0x8a: {  	s11 =	sadd.s32 s8, s13  }
0x8b: {  	s11 =	sadd.s32 s2, s11  }
0x8c: {  	s11 =	sadd.s32 s0, s11  }
0x8d: {  	s11 =	sadd.s32 s9, s11  }
0x8e: {  	s14 =	sadd.s32 $0xA490, s31;
	s15 =	sadd.s32 s8, s17;
	s11 =	sadd.s32 s26, s11  }
0x8f: {  	[hbm4b:s11+s10] =	stream.strided.scatter [tilespmem:s14], [sflag:$0x2], $0x400, s24, s10, $0x18;
	[tilespmem:$0x10200] =	vst v63  }
0x90: {  	s11 =	sadd.s32 s2, s15  }
0x91: {  	s11 =	sadd.s32 s0, s11  }
0x92: {  	s11 =	sadd.s32 s9, s11  }
0x93: {  	s16 =	sadd.s32 $0xA8A0, s31;
	s13 =	sadd.s32 s8, s18;
	s11 =	sadd.s32 s26, s11  }
0x94: {  	[hbm4b:s11+s10] =	stream.strided.scatter [tilespmem:s16], [sflag:$0x2], $0x400, s24, s10, $0x18;
	[tilespmem:$0x10200] =	vst v63  }
0x95: {  	s11 =	sadd.s32 s2, s13  }
0x96: {  	s11 =	sadd.s32 s0, s11  }
0x97: {  	s11 =	sadd.s32 s9, s11  }
0x98: {  	s14 =	sadd.s32 $0xACB0, s31;
	s15 =	sadd.s32 s8, s19;
	s11 =	sadd.s32 s26, s11  }
0x99: {  	[hbm4b:s11+s10] =	stream.strided.scatter [tilespmem:s14], [sflag:$0x2], $0x400, s24, s10, $0x18;
	[tilespmem:$0x10200] =	vst v63  }
0x9a: {  	s11 =	sadd.s32 s2, s15  }
0x9b: {  	s11 =	sadd.s32 s0, s11  }
0x9c: {  	s11 =	sadd.s32 s9, s11  }
0x9d: {  	s16 =	sadd.s32 $0xB0C0, s31;
	s13 =	sadd.s32 s8, s20;
	s11 =	sadd.s32 s26, s11  }
0x9e: {  	[hbm4b:s11+s10] =	stream.strided.scatter [tilespmem:s16], [sflag:$0x2], $0x400, s24, s10, $0x18;
	[tilespmem:$0x10200] =	vst v63  }
0x9f: {  	s11 =	sadd.s32 s2, s13  }
0xa0: {  	s11 =	sadd.s32 s0, s11  }
0xa1: {  	s11 =	sadd.s32 s9, s11  }
0xa2: {  	s14 =	sadd.s32 $0xB4D0, s31;
	s15 =	sadd.s32 s8, s21;
	s11 =	sadd.s32 s26, s11  }
0xa3: {  	[hbm4b:s11+s10] =	stream.strided.scatter [tilespmem:s14], [sflag:$0x2], $0x400, s24, s10, $0x18;
	[tilespmem:$0x10200] =	vst v63  }
0xa4: {  	s8 =	sadd.s32 s8, s22;
	s11 =	sadd.s32 s2, s15  }
0xa5: {  	s2 =	sadd.s32 s2, s8;
	s11 =	sadd.s32 s0, s11  }
.Ltmp5:
0xa6: {  	s0 =	sadd.s32 s0, s2;
	s11 =	sadd.s32 s9, s11;
	(pc) =	sbr.rel .LBB1_7-.Ltmp5, $4  }
0xa7: {  	s16 =	sadd.s32 $0xB8E0, s31;
	s0 =	sadd.s32 s9, s0;
	s11 =	sadd.s32 s26, s11  }
0xa8: {  	[hbm4b:s11+s10] =	stream.strided.scatter [tilespmem:s16], [sflag:$0x2], $0x400, s24, s10, $0x18;
	[tilespmem:$0x10200] =	vst v63  }
0xa9: {  	s31 =	sadd.s32 $0xBCF0, s31;
	s0 =	sadd.s32 s26, s0  }
0xaa: {  	[hbm4b:s0+s10] =	stream.strided.scatter [tilespmem:s31], [sflag:$0x2], $0x400, s24, s10, $0x18;
	[tilespmem:$0x10200] =	vst v63  }
.LBB1_8:
0xab: {  	_ =	sfence.sel $0x180000  }
0xac: {  	s0 =	simm.s32 $0x1;
	[bflag:$0x0] =	sbarrier.arrive $0xFFFF  }
0xad: {  	s30 =	simm.s32 $0x2;
	[sflag:s0] =	ssyncpa.u1 $0x1  }
0xae: {  	[sflag:s30] =	ssyncpa.u1 $0x1  }
0xaf: {  	_ =	strace $0x90000047  }
0xb0: {  	s31 =	stileid.u32;
	[bflag:$0x2] =	sbarrier.arrive $0xFFFF  }
0xb1: {  	p0 =	sne.s32 s31, $0x0;
	s0 =	rddreg [dreg:$0x2]  }
0xb2: {  	s0 =	sadd.s32 @!p0 $0x100000, s0  }
0xb3: {  	[sflag:s0] =	ssyncadd.tile.s32 @!p0 $0x1;
	_ =	shalt  }
.Lfunc_end1:
_tile_overlayer_lowered:
.L_overlay_start_2:
0xb4: {  	(tag) =	ssettag $0x2  }
0xb5: {  	s0 =	rddreg [dreg:$0x0];
	s2 =	stileid.u32  }
0xb6: {  	s1 =	rddreg [dreg:$0x1];
	p0 =	sne.s32 s2, $0x0  }
0xb7: {  	s3 =	rddreg [dreg:$0x2];
	[bflag:$0x3] =	sbarrier.arrive $0xFFFF;
	s2 =	simm.s32 @!p0 $0x1C01  }
0xb8: {  	[timem:s3], [sflag:s2] =	dma.local @!p0 [hbm:s0], s1  }
0xb9: {  	s0 =	simm.s32 @!p0 $0x1  }
0xba: {  	_ =	swait.ge @!p0 [sflag:s0], s1  }
0xbb: {  	s1 =	ssub.s32 @!p0 $0x0, s1;
	[sflag:s0] =	ssyncset.done @!p0 $0x0  }
0xbc: {  	[sflag:s0] =	ssyncadd.s32 @!p0 s1  }
0xbd: {  	[bflag:$0x3] =	sbarrier.arrive $0xFFFF  }
0xbe: {  	_ =	shalt  }

</sc_bundles>
